<compile_context>
chip_gen: v7x
topology: tpu7x:2x2x1
jax: 0.10.2.dev20260603
libtpu: 0.0.44.dev20260713+nightly
codegen_flags: <defaults>
</compile_context>

<pallas_src>
import functools

import jax
import jax.numpy as jnp
from jax import lax
from jax.experimental import pallas as pl
from jax.experimental.pallas import tpu as pltpu
from jax.experimental.pallas import tpu_sc as plsc

N_NODES = 10000
N_EDGES = 320000
D = 128

NC = 2
NS = 16
NW = NC * NS
CH = 128
NCH = 78
E_PER_W = NCH * CH
X_BASE = NW * E_PER_W
ROWS_PER_TILE = 624
TAIL_ROWS = N_NODES - NS * ROWS_PER_TILE


def _sc_segment_sum(edge_index, edge_attr, zeros_tile):
  mesh = plsc.VectorSubcoreMesh(core_axis_name="c", subcore_axis_name="s")

  @functools.partial(
      pl.kernel,
      out_type=jax.ShapeDtypeStruct((NC, N_NODES, D), jnp.float32),
      mesh=mesh,
      scratch_types=[
          pltpu.VMEM((2, CH), jnp.int32),
          pltpu.VMEM((2, CH), jnp.int32),
          pltpu.VMEM((2, CH), jnp.int32),
          pltpu.VMEM((CH, D), jnp.float32),
          pltpu.VMEM((CH, D), jnp.float32),
          pltpu.VMEM_SHARED((N_NODES, D), jnp.float32),
          pltpu.SemaphoreType.DMA,
          pltpu.SemaphoreType.DMA,
          pltpu.SemaphoreType.DMA,
          pltpu.SemaphoreType.DMA,
          pltpu.SemaphoreType.DMA,
      ],
  )
  def k(ei_hbm, ea_hbm, z_hbm, out_hbm,
        iv0, iv1, idx_x, rv0, rv1, acc, sem0, sem1, semi0, semi1, semx):
    c = lax.axis_index("c")
    s = lax.axis_index("s")
    wid = c * NS + s
    base = wid * E_PER_W
    xtra = (wid & 7) == 0
    t = wid >> 3

    pltpu.async_copy(ei_hbm.at[pl.ds(0, 2), pl.ds(base, CH)], iv0, semi0)
    pltpu.async_copy(ei_hbm.at[pl.ds(0, 2), pl.ds(base + CH, CH)], iv1, semi1)

    @pl.when(xtra)
    def _():
      pltpu.async_copy(ei_hbm.at[pl.ds(0, 2), pl.ds(X_BASE + t * CH, CH)],
                       idx_x, semx)

    pltpu.async_copy(ea_hbm.at[pl.ds(base, CH)], rv0, sem0)
    pltpu.async_copy(ea_hbm.at[pl.ds(base + CH, CH)], rv1, sem1)

    pltpu.sync_copy(z_hbm, acc.at[pl.ds(s * ROWS_PER_TILE, ROWS_PER_TILE)])

    @pl.when(s == NS - 1)
    def _():
      pltpu.sync_copy(z_hbm.at[pl.ds(0, TAIL_ROWS)],
                      acc.at[pl.ds(NS * ROWS_PER_TILE, TAIL_ROWS)])

    plsc.subcore_barrier()

    @pl.loop(0, NCH, step=2)
    def _(ch):
      for b in range(2):
        rv = (rv0, rv1)[b]
        iv = (iv0, iv1)[b]
        sem = (sem0, sem1)[b]
        semi = (semi0, semi1)[b]
        cc = ch + b
        pltpu.make_async_copy(ea_hbm.at[pl.ds(base, CH)], rv, sem).wait()
        pltpu.make_async_copy(ei_hbm.at[pl.ds(0, 2), pl.ds(base, CH)],
                              iv, semi).wait()
        pltpu.sync_copy(rv, acc.at[iv.at[1]], add=True)

        @pl.when(cc + 2 < NCH)
        def _():
          pltpu.async_copy(ea_hbm.at[pl.ds(base + (cc + 2) * CH, CH)], rv, sem)
          pltpu.async_copy(
              ei_hbm.at[pl.ds(0, 2), pl.ds(base + (cc + 2) * CH, CH)],
              iv, semi)

    @pl.when(xtra)
    def _():
      pltpu.sync_copy(ea_hbm.at[pl.ds(X_BASE + t * CH, CH)], rv0)
      pltpu.sync_copy(rv0, acc.at[idx_x.at[1]], add=True)

    plsc.subcore_barrier()
    r0 = s * ROWS_PER_TILE
    pltpu.sync_copy(acc.at[pl.ds(r0, ROWS_PER_TILE)],
                    out_hbm.at[c, pl.ds(r0, ROWS_PER_TILE)])

    @pl.when(s == NS - 1)
    def _():
      t0 = NS * ROWS_PER_TILE
      pltpu.sync_copy(acc.at[pl.ds(t0, TAIL_ROWS)],
                      out_hbm.at[c, pl.ds(t0, TAIL_ROWS)])

  return k(edge_index, edge_attr, zeros_tile)


def _mlp_body(x_ref, pa_ref, pb_ref, w1_ref, b1_ref, w2_ref,
              b2_ref, g_ref, bt_ref, o_ref):
  x = x_ref[...]
  agg = pa_ref[0] + pb_ref[0]
  xin = jnp.concatenate([x, agg], axis=-1)
  h = jnp.dot(xin, w1_ref[...], preferred_element_type=jnp.float32) + b1_ref[...]
  h = h * jax.nn.sigmoid(h)
  h = jnp.dot(h, w2_ref[...], preferred_element_type=jnp.float32) + b2_ref[...]
  mean = jnp.mean(h, axis=-1, keepdims=True)
  hc = h - mean
  var = jnp.mean(hc * hc, axis=-1, keepdims=True)
  o_ref[...] = x + hc * lax.rsqrt(var + 1e-5) * g_ref[...] + bt_ref[...]


def _tc_mlp(x, parts, W1, b1, W2, b2, gamma, beta):
  blk = 5000
  grid = N_NODES // blk
  row = lambda i: (i, 0)
  full = lambda i: (0, 0)
  return pl.pallas_call(
      _mlp_body,
      grid=(grid,),
      in_specs=[
          pl.BlockSpec((blk, D), row),
          pl.BlockSpec((1, blk, D), lambda i: (0, i, 0)),
          pl.BlockSpec((1, blk, D), lambda i: (1, i, 0)),
          pl.BlockSpec((256, 256), full),
          pl.BlockSpec((1, 256), full),
          pl.BlockSpec((256, D), full),
          pl.BlockSpec((1, D), full),
          pl.BlockSpec((1, D), full),
          pl.BlockSpec((1, D), full),
      ],
      out_specs=pl.BlockSpec((blk, D), row),
      out_shape=jax.ShapeDtypeStruct((N_NODES, D), jnp.float32),
  )(x, parts, parts, W1, b1, W2, b2, gamma, beta)


def kernel(x, edge_index, edge_attr, W1, b1, W2, b2, gamma, beta):
  ei = edge_index.astype(jnp.int32)
  zeros_tile = jnp.zeros((ROWS_PER_TILE, D), jnp.float32)
  parts = _sc_segment_sum(ei, edge_attr, zeros_tile)
  return _tc_mlp(x, parts, W1, b1.reshape(1, -1),
                 W2, b2.reshape(1, -1),
                 gamma.reshape(1, -1), beta.reshape(1, -1))

# --- scband reference (transcript-rebuilt; emitter-appended) ---
"""Pipeline reference for scband-node-processor-31825707663673 (READ-ONLY COPY).

The authoritative reference and input builder live on the scoring server;
editing this copy changes nothing except your own understanding.
"""

import jax, jax.numpy as jnp
import numpy as np

N_NODES = 10000
N_EDGES = 320000
D_FEAT = 128
DIMS = [256, 256, 128]


def setup_inputs(seed: int = 0) -> dict:
    key = jax.random.key(seed)
    ks = jax.random.split(key, 8)
    x = jax.random.normal(ks[0], (N_NODES, D_FEAT), dtype=jnp.float32)
    edge_index = jax.random.randint(ks[1], (2, N_EDGES), 0, N_NODES, dtype=jnp.int64)
    edge_attr = jax.random.normal(ks[2], (N_EDGES, D_FEAT), dtype=jnp.float32)
    # MLP params: Linear(256->256) + SiLU + Linear(256->128), then LayerNorm(128)
    W1 = jax.random.normal(ks[3], (DIMS[0], DIMS[1]), dtype=jnp.float32) * (1.0 / np.sqrt(DIMS[0]))
    b1 = jnp.zeros((DIMS[1],), dtype=jnp.float32)
    W2 = jax.random.normal(ks[4], (DIMS[1], DIMS[2]), dtype=jnp.float32) * (1.0 / np.sqrt(DIMS[1]))
    b2 = jnp.zeros((DIMS[2],), dtype=jnp.float32)
    gamma = jnp.ones((DIMS[2],), dtype=jnp.float32)
    beta = jnp.zeros((DIMS[2],), dtype=jnp.float32)
    return {"x": x, "edge_index": edge_index, "edge_attr": edge_attr,
            "W1": W1, "b1": b1, "W2": W2, "b2": b2, "gamma": gamma, "beta": beta}


def _layer_norm(h, gamma, beta, eps=1e-5):
    mean = jnp.mean(h, axis=-1, keepdims=True)
    var = jnp.var(h, axis=-1, keepdims=True)
    return (h - mean) / jnp.sqrt(var + eps) * gamma + beta


def reference(x, edge_index, edge_attr, W1, b1, W2, b2, gamma, beta):
    # j = edge_index[1]; scatter-add edge_attr into per-node buckets
    j = edge_index[1]
    agg = jax.ops.segment_sum(edge_attr, j, num_segments=x.shape[0])
    out = jnp.concatenate([x, agg], axis=-1)
    # MLP with SiLU activation between layers
    h = jax.nn.silu(out @ W1 + b1)
    h = h @ W2 + b2
    h = _layer_norm(h, gamma, beta)
    return x + h

if __name__ == "__main__":
    import jax
    _d = setup_inputs()
    print(jax.jit(kernel)(*tuple(_d.values())))

</pallas_src>

<mosaic_0001>
#map = affine_map<(d0, d1) -> (0, 0)>
#map1 = affine_map<(d0, d1) -> (0, 0, 0)>
module attributes {stable_mosaic.version = 14 : i64} {
  func.func @k(%arg0: i32, %arg1: i32, %arg2: memref<2x320000xi32, #tpu.memory_space<hbm>>, %arg3: memref<320000x128xf32, #tpu.memory_space<hbm>>, %arg4: memref<624x128xf32, #tpu.memory_space<hbm>>, %arg5: memref<2x10000x128xf32, #tpu.memory_space<hbm>>, %arg6: memref<2x128xi32, #tpu.memory_space<vmem>>, %arg7: memref<2x128xi32, #tpu.memory_space<vmem>>, %arg8: memref<2x128xi32, #tpu.memory_space<vmem>>, %arg9: memref<128x128xf32, #tpu.memory_space<vmem>>, %arg10: memref<128x128xf32, #tpu.memory_space<vmem>>, %arg11: memref<10000x128xf32, #tpu.memory_space<vmem_shared>>, %arg12: memref<!tpu.dma_semaphore, #tpu.memory_space<semaphore_mem>>, %arg13: memref<!tpu.dma_semaphore, #tpu.memory_space<semaphore_mem>>, %arg14: memref<!tpu.dma_semaphore, #tpu.memory_space<semaphore_mem>>, %arg15: memref<!tpu.dma_semaphore, #tpu.memory_space<semaphore_mem>>, %arg16: memref<!tpu.dma_semaphore, #tpu.memory_space<semaphore_mem>>) attributes {dimension_semantics = [#tpu.dimension_semantics<core_parallel>, #tpu.dimension_semantics<subcore_parallel>], iteration_bounds = array<i64: 2, 16>, scalar_prefetch = 0 : i64, scratch_operands = 11 : i64, tpu.core_type = #tpu.core_type<sc_vector_subcore>, window_params = [{transform_indices = #map}, {transform_indices = #map}, {transform_indices = #map}, {transform_indices = #map1}]} {
    %mul3A = arith.constant 16 : i32
    %mul3A_0 = arith.muli %arg0, %mul3A : i32
    %add3A = arith.addi %mul3A_0, %arg1 : i32
    %mul3A_1 = arith.constant 9984 : i32
    %mul3A_2 = arith.muli %add3A, %mul3A_1 : i32
    %and3A = arith.constant 7 : i32
    %and3A_3 = arith.andi %add3A, %and3A : i32
    %eq3A = arith.constant 0 : i32
    %eq3A_4 = arith.cmpi eq, %and3A_3, %eq3A : i32
    %shift_right_arithmetic3A = arith.constant 3 : i32
    %shift_right_arithmetic3A_5 = arith.shrsi %add3A, %shift_right_arithmetic3A : i32
    %dma_start3A = arith.constant 0 : i32
    %dma_start3A_6 = tpu.memref_slice %arg2[%dma_start3A, %mul3A_2] : memref<2x320000xi32, #tpu.memory_space<hbm>> -> memref<2x128xi32, #tpu.memory_space<hbm>>
    %dma_start3A_7 = arith.constant 0 : i32
    %dma_start3A_8 = tpu.memref_slice %arg2[%dma_start3A_7, %mul3A_2] : memref<2x320000xi32, #tpu.memory_space<hbm>> -> memref<2x128xi32, #tpu.memory_space<hbm>>
    tpu.enqueue_dma source(%dma_start3A_8 : memref<2x128xi32, #tpu.memory_space<hbm>>) target(%arg6 : memref<2x128xi32, #tpu.memory_space<vmem>>) target_semaphore(%arg14 : memref<!tpu.dma_semaphore, #tpu.memory_space<semaphore_mem>>)
    %add3A_9 = arith.constant 128 : i32
    %add3A_10 = arith.addi %mul3A_2, %add3A_9 : i32
    %dma_start3A_11 = arith.constant 0 : i32
    %dma_start3A_12 = tpu.memref_slice %arg2[%dma_start3A_11, %add3A_10] : memref<2x320000xi32, #tpu.memory_space<hbm>> -> memref<2x128xi32, #tpu.memory_space<hbm>>
    %dma_start3A_13 = arith.constant 0 : i32
    %dma_start3A_14 = tpu.memref_slice %arg2[%dma_start3A_13, %add3A_10] : memref<2x320000xi32, #tpu.memory_space<hbm>> -> memref<2x128xi32, #tpu.memory_space<hbm>>
    tpu.enqueue_dma source(%dma_start3A_14 : memref<2x128xi32, #tpu.memory_space<hbm>>) target(%arg7 : memref<2x128xi32, #tpu.memory_space<vmem>>) target_semaphore(%arg15 : memref<!tpu.dma_semaphore, #tpu.memory_space<semaphore_mem>>)
    %convert_element_type3A = arith.extui %eq3A_4 : i1 to i32
    %cond3A = arith.constant 0 : i32
    %cond3A_15 = arith.cmpi ne, %convert_element_type3A, %cond3A : i32
    scf.if %cond3A_15 {
      %mul3A_48 = arith.constant 128 : i32
      %mul3A_49 = arith.muli %shift_right_arithmetic3A_5, %mul3A_48 : i32
      %add3A_50 = arith.constant 319488 : i32
      %add3A_51 = arith.addi %add3A_50, %mul3A_49 : i32
      %dma_start3A_52 = arith.constant 0 : i32
      %dma_start3A_53 = tpu.memref_slice %arg2[%dma_start3A_52, %add3A_51] : memref<2x320000xi32, #tpu.memory_space<hbm>> -> memref<2x128xi32, #tpu.memory_space<hbm>>
      %dma_start3A_54 = arith.constant 0 : i32
      %dma_start3A_55 = tpu.memref_slice %arg2[%dma_start3A_54, %add3A_51] : memref<2x320000xi32, #tpu.memory_space<hbm>> -> memref<2x128xi32, #tpu.memory_space<hbm>>
      tpu.enqueue_dma source(%dma_start3A_55 : memref<2x128xi32, #tpu.memory_space<hbm>>) target(%arg8 : memref<2x128xi32, #tpu.memory_space<vmem>>) target_semaphore(%arg16 : memref<!tpu.dma_semaphore, #tpu.memory_space<semaphore_mem>>)
    } else {
    }
    %dma_start3A_16 = arith.constant 0 : i32
    %dma_start3A_17 = tpu.memref_slice %arg3[%mul3A_2, %dma_start3A_16] : memref<320000x128xf32, #tpu.memory_space<hbm>> -> memref<128x128xf32, #tpu.memory_space<hbm>>
    %dma_start3A_18 = arith.constant 0 : i32
    %dma_start3A_19 = tpu.memref_slice %arg3[%mul3A_2, %dma_start3A_18] : memref<320000x128xf32, #tpu.memory_space<hbm>> -> memref<128x128xf32, #tpu.memory_space<hbm>>
    tpu.enqueue_dma source(%dma_start3A_19 : memref<128x128xf32, #tpu.memory_space<hbm>>) target(%arg9 : memref<128x128xf32, #tpu.memory_space<vmem>>) target_semaphore(%arg12 : memref<!tpu.dma_semaphore, #tpu.memory_space<semaphore_mem>>)
    %add3A_20 = arith.constant 128 : i32
    %add3A_21 = arith.addi %mul3A_2, %add3A_20 : i32
    %dma_start3A_22 = arith.constant 0 : i32
    %dma_start3A_23 = tpu.memref_slice %arg3[%add3A_21, %dma_start3A_22] : memref<320000x128xf32, #tpu.memory_space<hbm>> -> memref<128x128xf32, #tpu.memory_space<hbm>>
    %dma_start3A_24 = arith.constant 0 : i32
    %dma_start3A_25 = tpu.memref_slice %arg3[%add3A_21, %dma_start3A_24] : memref<320000x128xf32, #tpu.memory_space<hbm>> -> memref<128x128xf32, #tpu.memory_space<hbm>>
    tpu.enqueue_dma source(%dma_start3A_25 : memref<128x128xf32, #tpu.memory_space<hbm>>) target(%arg10 : memref<128x128xf32, #tpu.memory_space<vmem>>) target_semaphore(%arg13 : memref<!tpu.dma_semaphore, #tpu.memory_space<semaphore_mem>>)
    %mul3A_26 = arith.constant 624 : i32
    %mul3A_27 = arith.muli %arg1, %mul3A_26 : i32
    "tpu.region"() ({
      %run_scoped3A = tpu.sem_alloc : memref<!tpu.dma_semaphore, #tpu.memory_space<semaphore_mem>>
      %dma_start3A_48 = arith.constant 0 : i32
      %dma_start3A_49 = tpu.memref_slice %arg11[%mul3A_27, %dma_start3A_48] : memref<10000x128xf32, #tpu.memory_space<vmem_shared>> -> memref<624x128xf32, #tpu.memory_space<vmem_shared>>
      tpu.enqueue_dma source(%arg4 : memref<624x128xf32, #tpu.memory_space<hbm>>) target(%dma_start3A_49 : memref<624x128xf32, #tpu.memory_space<vmem_shared>>) target_semaphore(%run_scoped3A : memref<!tpu.dma_semaphore, #tpu.memory_space<semaphore_mem>>)
      %dma_wait3A = arith.constant 0 : i32
      %dma_wait3A_50 = tpu.memref_slice %arg11[%mul3A_27, %dma_wait3A] : memref<10000x128xf32, #tpu.memory_space<vmem_shared>> -> memref<624x128xf32, #tpu.memory_space<vmem_shared>>
      tpu.wait_dma2 semaphore(%run_scoped3A : memref<!tpu.dma_semaphore, #tpu.memory_space<semaphore_mem>>) src(%arg4 : memref<624x128xf32, #tpu.memory_space<hbm>>) dst(%dma_wait3A_50 : memref<624x128xf32, #tpu.memory_space<vmem_shared>>)
      tpu.yield
    }) : () -> ()
    %eq3A_28 = arith.constant 15 : i32
    %eq3A_29 = arith.cmpi eq, %arg1, %eq3A_28 : i32
    %convert_element_type3A_30 = arith.extui %eq3A_29 : i1 to i32
    %cond3A_31 = arith.constant 0 : i32
    %cond3A_32 = arith.cmpi ne, %convert_element_type3A_30, %cond3A_31 : i32
    scf.if %cond3A_32 {
      "tpu.region"() ({
        %run_scoped3A = tpu.sem_alloc : memref<!tpu.dma_semaphore, #tpu.memory_space<semaphore_mem>>
        %dma_start3A_48 = arith.constant 9984 : i32
        %dma_start3A_49 = arith.constant 0 : i32
        %dma_start3A_50 = tpu.memref_slice %arg11[%dma_start3A_48, %dma_start3A_49] : memref<10000x128xf32, #tpu.memory_space<vmem_shared>> -> memref<16x128xf32, #tpu.memory_space<vmem_shared>>
        %dma_start3A_51 = arith.constant 0 : i32
        %dma_start3A_52 = arith.constant 0 : i32
        %dma_start3A_53 = tpu.memref_slice %arg4[%dma_start3A_51, %dma_start3A_52] : memref<624x128xf32, #tpu.memory_space<hbm>> -> memref<16x128xf32, #tpu.memory_space<hbm>>
        tpu.enqueue_dma source(%dma_start3A_53 : memref<16x128xf32, #tpu.memory_space<hbm>>) target(%dma_start3A_50 : memref<16x128xf32, #tpu.memory_space<vmem_shared>>) target_semaphore(%run_scoped3A : memref<!tpu.dma_semaphore, #tpu.memory_space<semaphore_mem>>)
        %dma_wait3A = arith.constant 9984 : i32
        %dma_wait3A_54 = arith.constant 0 : i32
        %dma_wait3A_55 = tpu.memref_slice %arg11[%dma_wait3A, %dma_wait3A_54] : memref<10000x128xf32, #tpu.memory_space<vmem_shared>> -> memref<16x128xf32, #tpu.memory_space<vmem_shared>>
        %dma_wait3A_56 = arith.constant 0 : i32
        %dma_wait3A_57 = arith.constant 0 : i32
        %dma_wait3A_58 = tpu.memref_slice %arg4[%dma_wait3A_56, %dma_wait3A_57] : memref<624x128xf32, #tpu.memory_space<hbm>> -> memref<16x128xf32, #tpu.memory_space<hbm>>
        tpu.wait_dma2 semaphore(%run_scoped3A : memref<!tpu.dma_semaphore, #tpu.memory_space<semaphore_mem>>) src(%dma_wait3A_58 : memref<16x128xf32, #tpu.memory_space<hbm>>) dst(%dma_wait3A_55 : memref<16x128xf32, #tpu.memory_space<vmem_shared>>)
        tpu.yield
      }) : () -> ()
    } else {
    }
    %barrier3A = arith.constant 0 : index
    tpu.barrier barrier_id(%barrier3A)
    %scan3A = arith.constant 0 : i32
    %scan3A_33 = arith.constant 39 : i32
    %scan3A_34 = arith.addi %scan3A, %scan3A_33 : i32
    %scan3A_35 = arith.constant 1 : i32
    scf.for %scan3A_48 = %scan3A to %scan3A_34 step %scan3A_35  : i32 {
      %mul3A_49 = arith.constant 2 : i32
      %mul3A_50 = arith.muli %scan3A_48, %mul3A_49 : i32
      %add3A_51 = arith.constant 0 : i32
      %add3A_52 = arith.addi %add3A_51, %mul3A_50 : i32
      %add3A_53 = arith.constant 0 : i32
      %add3A_54 = arith.addi %add3A_52, %add3A_53 : i32
      %dma_wait3A = arith.constant 0 : i32
      %dma_wait3A_55 = tpu.memref_slice %arg3[%mul3A_2, %dma_wait3A] : memref<320000x128xf32, #tpu.memory_space<hbm>> -> memref<128x128xf32, #tpu.memory_space<hbm>>
      %dma_wait3A_56 = arith.constant 0 : i32
      %dma_wait3A_57 = tpu.memref_slice %arg3[%mul3A_2, %dma_wait3A_56] : memref<320000x128xf32, #tpu.memory_space<hbm>> -> memref<128x128xf32, #tpu.memory_space<hbm>>
      tpu.wait_dma2 semaphore(%arg12 : memref<!tpu.dma_semaphore, #tpu.memory_space<semaphore_mem>>) src(%dma_wait3A_57 : memref<128x128xf32, #tpu.memory_space<hbm>>) dst(%arg9 : memref<128x128xf32, #tpu.memory_space<vmem>>)
      %dma_wait3A_58 = arith.constant 0 : i32
      %dma_wait3A_59 = tpu.memref_slice %arg2[%dma_wait3A_58, %mul3A_2] : memref<2x320000xi32, #tpu.memory_space<hbm>> -> memref<2x128xi32, #tpu.memory_space<hbm>>
      %dma_wait3A_60 = arith.constant 0 : i32
      %dma_wait3A_61 = tpu.memref_slice %arg2[%dma_wait3A_60, %mul3A_2] : memref<2x320000xi32, #tpu.memory_space<hbm>> -> memref<2x128xi32, #tpu.memory_space<hbm>>
      tpu.wait_dma2 semaphore(%arg14 : memref<!tpu.dma_semaphore, #tpu.memory_space<semaphore_mem>>) src(%dma_wait3A_61 : memref<2x128xi32, #tpu.memory_space<hbm>>) dst(%arg6 : memref<2x128xi32, #tpu.memory_space<vmem>>)
      %run_scoped3A = arith.constant 1 : i32
      "tpu.region"() ({
        %run_scoped3A_86 = tpu.sem_alloc : memref<!tpu.dma_semaphore, #tpu.memory_space<semaphore_mem>>
        %dma_start3A_87 = arith.constant 0 : i32
        %dma_start3A_88 = tpu.memref_slice %arg6[%run_scoped3A, %dma_start3A_87] : memref<2x128xi32, #tpu.memory_space<vmem>> -> memref<1x128xi32, #tpu.memory_space<vmem>>
        %dma_start3A_89 = tpu.memref_squeeze %dma_start3A_88 : memref<1x128xi32, #tpu.memory_space<vmem>> -> memref<128xi32, #tpu.memory_space<vmem>>
        %dma_start3A_90 = arith.constant 0 : i32
        %dma_start3A_91 = arith.constant 0 : i32
        %dma_start3A_92 = tpu.memref_slice %arg11[%dma_start3A_90, %dma_start3A_91] : memref<10000x128xf32, #tpu.memory_space<vmem_shared>> -> memref<10000x128xf32, #tpu.memory_space<vmem_shared>>
        tpu.enqueue_indirect_dma source(%arg9 : memref<128x128xf32, #tpu.memory_space<vmem>>) target(%dma_start3A_92 : memref<10000x128xf32, #tpu.memory_space<vmem_shared>>) offsets(%dma_start3A_89 : memref<128xi32, #tpu.memory_space<vmem>>) semaphore(%run_scoped3A_86 : memref<!tpu.dma_semaphore, #tpu.memory_space<semaphore_mem>>) {add = true}
        %dma_wait3A_93 = arith.constant 0 : i32
        %dma_wait3A_94 = tpu.memref_slice %arg6[%run_scoped3A, %dma_wait3A_93] : memref<2x128xi32, #tpu.memory_space<vmem>> -> memref<1x128xi32, #tpu.memory_space<vmem>>
        %dma_wait3A_95 = tpu.memref_squeeze %dma_wait3A_94 : memref<1x128xi32, #tpu.memory_space<vmem>> -> memref<128xi32, #tpu.memory_space<vmem>>
        %dma_wait3A_96 = arith.constant 0 : i32
        %dma_wait3A_97 = arith.constant 0 : i32
        %dma_wait3A_98 = tpu.memref_slice %arg11[%dma_wait3A_96, %dma_wait3A_97] : memref<10000x128xf32, #tpu.memory_space<vmem_shared>> -> memref<10000x128xf32, #tpu.memory_space<vmem_shared>>
        tpu.wait_indirect_dma semaphore(%run_scoped3A_86 : memref<!tpu.dma_semaphore, #tpu.memory_space<semaphore_mem>>) src(%arg9 : memref<128x128xf32, #tpu.memory_space<vmem>>) dst(%dma_wait3A_98 : memref<10000x128xf32, #tpu.memory_space<vmem_shared>>)
        tpu.yield
      }) : () -> ()
      %add3A_62 = arith.constant 2 : i32
      %add3A_63 = arith.addi %add3A_54, %add3A_62 : i32
      %lt3A = arith.constant 78 : i32
      %lt3A_64 = arith.cmpi slt, %add3A_63, %lt3A : i32
      %convert_element_type3A_65 = arith.extui %lt3A_64 : i1 to i32
      %cond3A_66 = arith.constant 0 : i32
      %cond3A_67 = arith.cmpi ne, %convert_element_type3A_65, %cond3A_66 : i32
      scf.if %cond3A_67 {
        %add3A_86 = arith.constant 2 : i32
        %add3A_87 = arith.addi %add3A_54, %add3A_86 : i32
        %mul3A_88 = arith.constant 128 : i32
        %mul3A_89 = arith.muli %add3A_87, %mul3A_88 : i32
        %add3A_90 = arith.addi %mul3A_2, %mul3A_89 : i32
        %dma_start3A_91 = arith.constant 0 : i32
        %dma_start3A_92 = tpu.memref_slice %arg3[%add3A_90, %dma_start3A_91] : memref<320000x128xf32, #tpu.memory_space<hbm>> -> memref<128x128xf32, #tpu.memory_space<hbm>>
        %dma_start3A_93 = arith.constant 0 : i32
        %dma_start3A_94 = tpu.memref_slice %arg3[%add3A_90, %dma_start3A_93] : memref<320000x128xf32, #tpu.memory_space<hbm>> -> memref<128x128xf32, #tpu.memory_space<hbm>>
        tpu.enqueue_dma source(%dma_start3A_94 : memref<128x128xf32, #tpu.memory_space<hbm>>) target(%arg9 : memref<128x128xf32, #tpu.memory_space<vmem>>) target_semaphore(%arg12 : memref<!tpu.dma_semaphore, #tpu.memory_space<semaphore_mem>>)
        %add3A_95 = arith.constant 2 : i32
        %add3A_96 = arith.addi %add3A_54, %add3A_95 : i32
        %mul3A_97 = arith.constant 128 : i32
        %mul3A_98 = arith.muli %add3A_96, %mul3A_97 : i32
        %add3A_99 = arith.addi %mul3A_2, %mul3A_98 : i32
        %dma_start3A_100 = arith.constant 0 : i32
        %dma_start3A_101 = tpu.memref_slice %arg2[%dma_start3A_100, %add3A_99] : memref<2x320000xi32, #tpu.memory_space<hbm>> -> memref<2x128xi32, #tpu.memory_space<hbm>>
        %dma_start3A_102 = arith.constant 0 : i32
        %dma_start3A_103 = tpu.memref_slice %arg2[%dma_start3A_102, %add3A_99] : memref<2x320000xi32, #tpu.memory_space<hbm>> -> memref<2x128xi32, #tpu.memory_space<hbm>>
        tpu.enqueue_dma source(%dma_start3A_103 : memref<2x128xi32, #tpu.memory_space<hbm>>) target(%arg6 : memref<2x128xi32, #tpu.memory_space<vmem>>) target_semaphore(%arg14 : memref<!tpu.dma_semaphore, #tpu.memory_space<semaphore_mem>>)
      } else {
      }
      %add3A_68 = arith.constant 1 : i32
      %add3A_69 = arith.addi %add3A_52, %add3A_68 : i32
      %dma_wait3A_70 = arith.constant 0 : i32
      %dma_wait3A_71 = tpu.memref_slice %arg3[%mul3A_2, %dma_wait3A_70] : memref<320000x128xf32, #tpu.memory_space<hbm>> -> memref<128x128xf32, #tpu.memory_space<hbm>>
      %dma_wait3A_72 = arith.constant 0 : i32
      %dma_wait3A_73 = tpu.memref_slice %arg3[%mul3A_2, %dma_wait3A_72] : memref<320000x128xf32, #tpu.memory_space<hbm>> -> memref<128x128xf32, #tpu.memory_space<hbm>>
      tpu.wait_dma2 semaphore(%arg13 : memref<!tpu.dma_semaphore, #tpu.memory_space<semaphore_mem>>) src(%dma_wait3A_73 : memref<128x128xf32, #tpu.memory_space<hbm>>) dst(%arg10 : memref<128x128xf32, #tpu.memory_space<vmem>>)
      %dma_wait3A_74 = arith.constant 0 : i32
      %dma_wait3A_75 = tpu.memref_slice %arg2[%dma_wait3A_74, %mul3A_2] : memref<2x320000xi32, #tpu.memory_space<hbm>> -> memref<2x128xi32, #tpu.memory_space<hbm>>
      %dma_wait3A_76 = arith.constant 0 : i32
      %dma_wait3A_77 = tpu.memref_slice %arg2[%dma_wait3A_76, %mul3A_2] : memref<2x320000xi32, #tpu.memory_space<hbm>> -> memref<2x128xi32, #tpu.memory_space<hbm>>
      tpu.wait_dma2 semaphore(%arg15 : memref<!tpu.dma_semaphore, #tpu.memory_space<semaphore_mem>>) src(%dma_wait3A_77 : memref<2x128xi32, #tpu.memory_space<hbm>>) dst(%arg7 : memref<2x128xi32, #tpu.memory_space<vmem>>)
      %run_scoped3A_78 = arith.constant 1 : i32
      "tpu.region"() ({
        %run_scoped3A_86 = tpu.sem_alloc : memref<!tpu.dma_semaphore, #tpu.memory_space<semaphore_mem>>
        %dma_start3A_87 = arith.constant 0 : i32
        %dma_start3A_88 = tpu.memref_slice %arg7[%run_scoped3A_78, %dma_start3A_87] : memref<2x128xi32, #tpu.memory_space<vmem>> -> memref<1x128xi32, #tpu.memory_space<vmem>>
        %dma_start3A_89 = tpu.memref_squeeze %dma_start3A_88 : memref<1x128xi32, #tpu.memory_space<vmem>> -> memref<128xi32, #tpu.memory_space<vmem>>
        %dma_start3A_90 = arith.constant 0 : i32
        %dma_start3A_91 = arith.constant 0 : i32
        %dma_start3A_92 = tpu.memref_slice %arg11[%dma_start3A_90, %dma_start3A_91] : memref<10000x128xf32, #tpu.memory_space<vmem_shared>> -> memref<10000x128xf32, #tpu.memory_space<vmem_shared>>
        tpu.enqueue_indirect_dma source(%arg10 : memref<128x128xf32, #tpu.memory_space<vmem>>) target(%dma_start3A_92 : memref<10000x128xf32, #tpu.memory_space<vmem_shared>>) offsets(%dma_start3A_89 : memref<128xi32, #tpu.memory_space<vmem>>) semaphore(%run_scoped3A_86 : memref<!tpu.dma_semaphore, #tpu.memory_space<semaphore_mem>>) {add = true}
        %dma_wait3A_93 = arith.constant 0 : i32
        %dma_wait3A_94 = tpu.memref_slice %arg7[%run_scoped3A_78, %dma_wait3A_93] : memref<2x128xi32, #tpu.memory_space<vmem>> -> memref<1x128xi32, #tpu.memory_space<vmem>>
        %dma_wait3A_95 = tpu.memref_squeeze %dma_wait3A_94 : memref<1x128xi32, #tpu.memory_space<vmem>> -> memref<128xi32, #tpu.memory_space<vmem>>
        %dma_wait3A_96 = arith.constant 0 : i32
        %dma_wait3A_97 = arith.constant 0 : i32
        %dma_wait3A_98 = tpu.memref_slice %arg11[%dma_wait3A_96, %dma_wait3A_97] : memref<10000x128xf32, #tpu.memory_space<vmem_shared>> -> memref<10000x128xf32, #tpu.memory_space<vmem_shared>>
        tpu.wait_indirect_dma semaphore(%run_scoped3A_86 : memref<!tpu.dma_semaphore, #tpu.memory_space<semaphore_mem>>) src(%arg10 : memref<128x128xf32, #tpu.memory_space<vmem>>) dst(%dma_wait3A_98 : memref<10000x128xf32, #tpu.memory_space<vmem_shared>>)
        tpu.yield
      }) : () -> ()
      %add3A_79 = arith.constant 2 : i32
      %add3A_80 = arith.addi %add3A_69, %add3A_79 : i32
      %lt3A_81 = arith.constant 78 : i32
      %lt3A_82 = arith.cmpi slt, %add3A_80, %lt3A_81 : i32
      %convert_element_type3A_83 = arith.extui %lt3A_82 : i1 to i32
      %cond3A_84 = arith.constant 0 : i32
      %cond3A_85 = arith.cmpi ne, %convert_element_type3A_83, %cond3A_84 : i32
      scf.if %cond3A_85 {
        %add3A_86 = arith.constant 2 : i32
        %add3A_87 = arith.addi %add3A_69, %add3A_86 : i32
        %mul3A_88 = arith.constant 128 : i32
        %mul3A_89 = arith.muli %add3A_87, %mul3A_88 : i32
        %add3A_90 = arith.addi %mul3A_2, %mul3A_89 : i32
        %dma_start3A_91 = arith.constant 0 : i32
        %dma_start3A_92 = tpu.memref_slice %arg3[%add3A_90, %dma_start3A_91] : memref<320000x128xf32, #tpu.memory_space<hbm>> -> memref<128x128xf32, #tpu.memory_space<hbm>>
        %dma_start3A_93 = arith.constant 0 : i32
        %dma_start3A_94 = tpu.memref_slice %arg3[%add3A_90, %dma_start3A_93] : memref<320000x128xf32, #tpu.memory_space<hbm>> -> memref<128x128xf32, #tpu.memory_space<hbm>>
        tpu.enqueue_dma source(%dma_start3A_94 : memref<128x128xf32, #tpu.memory_space<hbm>>) target(%arg10 : memref<128x128xf32, #tpu.memory_space<vmem>>) target_semaphore(%arg13 : memref<!tpu.dma_semaphore, #tpu.memory_space<semaphore_mem>>)
        %add3A_95 = arith.constant 2 : i32
        %add3A_96 = arith.addi %add3A_69, %add3A_95 : i32
        %mul3A_97 = arith.constant 128 : i32
        %mul3A_98 = arith.muli %add3A_96, %mul3A_97 : i32
        %add3A_99 = arith.addi %mul3A_2, %mul3A_98 : i32
        %dma_start3A_100 = arith.constant 0 : i32
        %dma_start3A_101 = tpu.memref_slice %arg2[%dma_start3A_100, %add3A_99] : memref<2x320000xi32, #tpu.memory_space<hbm>> -> memref<2x128xi32, #tpu.memory_space<hbm>>
        %dma_start3A_102 = arith.constant 0 : i32
        %dma_start3A_103 = tpu.memref_slice %arg2[%dma_start3A_102, %add3A_99] : memref<2x320000xi32, #tpu.memory_space<hbm>> -> memref<2x128xi32, #tpu.memory_space<hbm>>
        tpu.enqueue_dma source(%dma_start3A_103 : memref<2x128xi32, #tpu.memory_space<hbm>>) target(%arg7 : memref<2x128xi32, #tpu.memory_space<vmem>>) target_semaphore(%arg15 : memref<!tpu.dma_semaphore, #tpu.memory_space<semaphore_mem>>)
      } else {
      }
    }
    %scan3A_36 = arith.constant 39 : i32
    %convert_element_type3A_37 = arith.extui %eq3A_4 : i1 to i32
    %cond3A_38 = arith.constant 0 : i32
    %cond3A_39 = arith.cmpi ne, %convert_element_type3A_37, %cond3A_38 : i32
    scf.if %cond3A_39 {
      %mul3A_48 = arith.constant 128 : i32
      %mul3A_49 = arith.muli %shift_right_arithmetic3A_5, %mul3A_48 : i32
      %add3A_50 = arith.constant 319488 : i32
      %add3A_51 = arith.addi %add3A_50, %mul3A_49 : i32
      "tpu.region"() ({
        %run_scoped3A_52 = tpu.sem_alloc : memref<!tpu.dma_semaphore, #tpu.memory_space<semaphore_mem>>
        %dma_start3A_53 = arith.constant 0 : i32
        %dma_start3A_54 = tpu.memref_slice %arg3[%add3A_51, %dma_start3A_53] : memref<320000x128xf32, #tpu.memory_space<hbm>> -> memref<128x128xf32, #tpu.memory_space<hbm>>
        %dma_start3A_55 = arith.constant 0 : i32
        %dma_start3A_56 = tpu.memref_slice %arg3[%add3A_51, %dma_start3A_55] : memref<320000x128xf32, #tpu.memory_space<hbm>> -> memref<128x128xf32, #tpu.memory_space<hbm>>
        tpu.enqueue_dma source(%dma_start3A_56 : memref<128x128xf32, #tpu.memory_space<hbm>>) target(%arg9 : memref<128x128xf32, #tpu.memory_space<vmem>>) target_semaphore(%run_scoped3A_52 : memref<!tpu.dma_semaphore, #tpu.memory_space<semaphore_mem>>)
        %dma_wait3A = arith.constant 0 : i32
        %dma_wait3A_57 = tpu.memref_slice %arg3[%add3A_51, %dma_wait3A] : memref<320000x128xf32, #tpu.memory_space<hbm>> -> memref<128x128xf32, #tpu.memory_space<hbm>>
        %dma_wait3A_58 = arith.constant 0 : i32
        %dma_wait3A_59 = tpu.memref_slice %arg3[%add3A_51, %dma_wait3A_58] : memref<320000x128xf32, #tpu.memory_space<hbm>> -> memref<128x128xf32, #tpu.memory_space<hbm>>
        tpu.wait_dma2 semaphore(%run_scoped3A_52 : memref<!tpu.dma_semaphore, #tpu.memory_space<semaphore_mem>>) src(%dma_wait3A_59 : memref<128x128xf32, #tpu.memory_space<hbm>>) dst(%arg9 : memref<128x128xf32, #tpu.memory_space<vmem>>)
        tpu.yield
      }) : () -> ()
      %run_scoped3A = arith.constant 1 : i32
      "tpu.region"() ({
        %run_scoped3A_52 = tpu.sem_alloc : memref<!tpu.dma_semaphore, #tpu.memory_space<semaphore_mem>>
        %dma_start3A_53 = arith.constant 0 : i32
        %dma_start3A_54 = tpu.memref_slice %arg8[%run_scoped3A, %dma_start3A_53] : memref<2x128xi32, #tpu.memory_space<vmem>> -> memref<1x128xi32, #tpu.memory_space<vmem>>
        %dma_start3A_55 = tpu.memref_squeeze %dma_start3A_54 : memref<1x128xi32, #tpu.memory_space<vmem>> -> memref<128xi32, #tpu.memory_space<vmem>>
        %dma_start3A_56 = arith.constant 0 : i32
        %dma_start3A_57 = arith.constant 0 : i32
        %dma_start3A_58 = tpu.memref_slice %arg11[%dma_start3A_56, %dma_start3A_57] : memref<10000x128xf32, #tpu.memory_space<vmem_shared>> -> memref<10000x128xf32, #tpu.memory_space<vmem_shared>>
        tpu.enqueue_indirect_dma source(%arg9 : memref<128x128xf32, #tpu.memory_space<vmem>>) target(%dma_start3A_58 : memref<10000x128xf32, #tpu.memory_space<vmem_shared>>) offsets(%dma_start3A_55 : memref<128xi32, #tpu.memory_space<vmem>>) semaphore(%run_scoped3A_52 : memref<!tpu.dma_semaphore, #tpu.memory_space<semaphore_mem>>) {add = true}
        %dma_wait3A = arith.constant 0 : i32
        %dma_wait3A_59 = tpu.memref_slice %arg8[%run_scoped3A, %dma_wait3A] : memref<2x128xi32, #tpu.memory_space<vmem>> -> memref<1x128xi32, #tpu.memory_space<vmem>>
        %dma_wait3A_60 = tpu.memref_squeeze %dma_wait3A_59 : memref<1x128xi32, #tpu.memory_space<vmem>> -> memref<128xi32, #tpu.memory_space<vmem>>
        %dma_wait3A_61 = arith.constant 0 : i32
        %dma_wait3A_62 = arith.constant 0 : i32
        %dma_wait3A_63 = tpu.memref_slice %arg11[%dma_wait3A_61, %dma_wait3A_62] : memref<10000x128xf32, #tpu.memory_space<vmem_shared>> -> memref<10000x128xf32, #tpu.memory_space<vmem_shared>>
        tpu.wait_indirect_dma semaphore(%run_scoped3A_52 : memref<!tpu.dma_semaphore, #tpu.memory_space<semaphore_mem>>) src(%arg9 : memref<128x128xf32, #tpu.memory_space<vmem>>) dst(%dma_wait3A_63 : memref<10000x128xf32, #tpu.memory_space<vmem_shared>>)
        tpu.yield
      }) : () -> ()
    } else {
    }
    %barrier3A_40 = arith.constant 0 : index
    tpu.barrier barrier_id(%barrier3A_40)
    %mul3A_41 = arith.constant 624 : i32
    %mul3A_42 = arith.muli %arg1, %mul3A_41 : i32
    "tpu.region"() ({
      %run_scoped3A = tpu.sem_alloc : memref<!tpu.dma_semaphore, #tpu.memory_space<semaphore_mem>>
      %dma_start3A_48 = arith.constant 0 : i32
      %dma_start3A_49 = tpu.memref_slice %arg5[%arg0, %mul3A_42, %dma_start3A_48] : memref<2x10000x128xf32, #tpu.memory_space<hbm>> -> memref<1x624x128xf32, #tpu.memory_space<hbm>>
      %dma_start3A_50 = tpu.memref_squeeze %dma_start3A_49 : memref<1x624x128xf32, #tpu.memory_space<hbm>> -> memref<624x128xf32, #tpu.memory_space<hbm>>
      %dma_start3A_51 = arith.constant 0 : i32
      %dma_start3A_52 = tpu.memref_slice %arg11[%mul3A_42, %dma_start3A_51] : memref<10000x128xf32, #tpu.memory_space<vmem_shared>> -> memref<624x128xf32, #tpu.memory_space<vmem_shared>>
      tpu.enqueue_dma source(%dma_start3A_52 : memref<624x128xf32, #tpu.memory_space<vmem_shared>>) target(%dma_start3A_50 : memref<624x128xf32, #tpu.memory_space<hbm>>) target_semaphore(%run_scoped3A : memref<!tpu.dma_semaphore, #tpu.memory_space<semaphore_mem>>)
      %dma_wait3A = arith.constant 0 : i32
      %dma_wait3A_53 = tpu.memref_slice %arg5[%arg0, %mul3A_42, %dma_wait3A] : memref<2x10000x128xf32, #tpu.memory_space<hbm>> -> memref<1x624x128xf32, #tpu.memory_space<hbm>>
      %dma_wait3A_54 = tpu.memref_squeeze %dma_wait3A_53 : memref<1x624x128xf32, #tpu.memory_space<hbm>> -> memref<624x128xf32, #tpu.memory_space<hbm>>
      %dma_wait3A_55 = arith.constant 0 : i32
      %dma_wait3A_56 = tpu.memref_slice %arg11[%mul3A_42, %dma_wait3A_55] : memref<10000x128xf32, #tpu.memory_space<vmem_shared>> -> memref<624x128xf32, #tpu.memory_space<vmem_shared>>
      tpu.wait_dma2 semaphore(%run_scoped3A : memref<!tpu.dma_semaphore, #tpu.memory_space<semaphore_mem>>) src(%dma_wait3A_56 : memref<624x128xf32, #tpu.memory_space<vmem_shared>>) dst(%dma_wait3A_54 : memref<624x128xf32, #tpu.memory_space<hbm>>)
      tpu.yield
    }) : () -> ()
    %eq3A_43 = arith.constant 15 : i32
    %eq3A_44 = arith.cmpi eq, %arg1, %eq3A_43 : i32
    %convert_element_type3A_45 = arith.extui %eq3A_44 : i1 to i32
    %cond3A_46 = arith.constant 0 : i32
    %cond3A_47 = arith.cmpi ne, %convert_element_type3A_45, %cond3A_46 : i32
    scf.if %cond3A_47 {
      "tpu.region"() ({
        %run_scoped3A = tpu.sem_alloc : memref<!tpu.dma_semaphore, #tpu.memory_space<semaphore_mem>>
        %dma_start3A_48 = arith.constant 9984 : i32
        %dma_start3A_49 = arith.constant 0 : i32
        %dma_start3A_50 = tpu.memref_slice %arg5[%arg0, %dma_start3A_48, %dma_start3A_49] : memref<2x10000x128xf32, #tpu.memory_space<hbm>> -> memref<1x16x128xf32, #tpu.memory_space<hbm>>
        %dma_start3A_51 = tpu.memref_squeeze %dma_start3A_50 : memref<1x16x128xf32, #tpu.memory_space<hbm>> -> memref<16x128xf32, #tpu.memory_space<hbm>>
        %dma_start3A_52 = arith.constant 9984 : i32
        %dma_start3A_53 = arith.constant 0 : i32
        %dma_start3A_54 = tpu.memref_slice %arg11[%dma_start3A_52, %dma_start3A_53] : memref<10000x128xf32, #tpu.memory_space<vmem_shared>> -> memref<16x128xf32, #tpu.memory_space<vmem_shared>>
        tpu.enqueue_dma source(%dma_start3A_54 : memref<16x128xf32, #tpu.memory_space<vmem_shared>>) target(%dma_start3A_51 : memref<16x128xf32, #tpu.memory_space<hbm>>) target_semaphore(%run_scoped3A : memref<!tpu.dma_semaphore, #tpu.memory_space<semaphore_mem>>)
        %dma_wait3A = arith.constant 9984 : i32
        %dma_wait3A_55 = arith.constant 0 : i32
        %dma_wait3A_56 = tpu.memref_slice %arg5[%arg0, %dma_wait3A, %dma_wait3A_55] : memref<2x10000x128xf32, #tpu.memory_space<hbm>> -> memref<1x16x128xf32, #tpu.memory_space<hbm>>
        %dma_wait3A_57 = tpu.memref_squeeze %dma_wait3A_56 : memref<1x16x128xf32, #tpu.memory_space<hbm>> -> memref<16x128xf32, #tpu.memory_space<hbm>>
        %dma_wait3A_58 = arith.constant 9984 : i32
        %dma_wait3A_59 = arith.constant 0 : i32
        %dma_wait3A_60 = tpu.memref_slice %arg11[%dma_wait3A_58, %dma_wait3A_59] : memref<10000x128xf32, #tpu.memory_space<vmem_shared>> -> memref<16x128xf32, #tpu.memory_space<vmem_shared>>
        tpu.wait_dma2 semaphore(%run_scoped3A : memref<!tpu.dma_semaphore, #tpu.memory_space<semaphore_mem>>) src(%dma_wait3A_60 : memref<16x128xf32, #tpu.memory_space<vmem_shared>>) dst(%dma_wait3A_57 : memref<16x128xf32, #tpu.memory_space<hbm>>)
        tpu.yield
      }) : () -> ()
    } else {
    }
    return
  }
}

module attributes {stable_mosaic.version = 14 : i64} {
  func.func @_mlp_body(%arg0: i32, %arg1: memref<5000x128xf32, #tpu.memory_space<vmem>>, %arg2: memref<1x5000x128xf32, #tpu.memory_space<vmem>>, %arg3: memref<1x5000x128xf32, #tpu.memory_space<vmem>>, %arg4: memref<256x256xf32, #tpu.memory_space<vmem>>, %arg5: memref<1x256xf32, #tpu.memory_space<vmem>>, %arg6: memref<256x128xf32, #tpu.memory_space<vmem>>, %arg7: memref<1x128xf32, #tpu.memory_space<vmem>>, %arg8: memref<1x128xf32, #tpu.memory_space<vmem>>, %arg9: memref<1x128xf32, #tpu.memory_space<vmem>>, %arg10: memref<5000x128xf32, #tpu.memory_space<vmem>>) attributes {dimension_semantics = [#tpu.dimension_semantics<arbitrary>], iteration_bounds = array<i64: 2>, scalar_prefetch = 0 : i64, scratch_operands = 0 : i64, tpu.core_type = #tpu.core_type<tc>, window_params = [{transform_indices = @transform_0, window_bounds = array<i64: 5000, 128>}, {transform_indices = @transform_1, window_bounds = array<i64: 1, 5000, 128>}, {transform_indices = @transform_2, window_bounds = array<i64: 1, 5000, 128>}, {pipeline_mode = #tpu.pipeline_mode<synchronous>, transform_indices = @transform_3, window_bounds = array<i64: 256, 256>}, {pipeline_mode = #tpu.pipeline_mode<synchronous>, transform_indices = @transform_4, window_bounds = array<i64: 1, 256>}, {pipeline_mode = #tpu.pipeline_mode<synchronous>, transform_indices = @transform_5, window_bounds = array<i64: 256, 128>}, {pipeline_mode = #tpu.pipeline_mode<synchronous>, transform_indices = @transform_6, window_bounds = array<i64: 1, 128>}, {pipeline_mode = #tpu.pipeline_mode<synchronous>, transform_indices = @transform_7, window_bounds = array<i64: 1, 128>}, {pipeline_mode = #tpu.pipeline_mode<synchronous>, transform_indices = @transform_8, window_bounds = array<i64: 1, 128>}, {transform_indices = @transform_9, window_bounds = array<i64: 5000, 128>}]} {
    %get3A = arith.constant 0 : index
    %get3A_0 = arith.constant 0 : index
    %get3A_1 = vector.load %arg1[%get3A, %get3A_0] : memref<5000x128xf32, #tpu.memory_space<vmem>>, vector<5000x128xf32>
    %get3A_2 = arith.constant 0 : index
    %get3A_3 = arith.constant 0 : index
    %get3A_4 = arith.constant 0 : index
    %get3A_5 = vector.load %arg2[%get3A_2, %get3A_3, %get3A_4] : memref<1x5000x128xf32, #tpu.memory_space<vmem>>, vector<1x5000x128xf32>
    %get3A_6 = vector.shape_cast %get3A_5 : vector<1x5000x128xf32> to vector<5000x128xf32>
    %get3A_7 = arith.constant 0 : index
    %get3A_8 = arith.constant 0 : index
    %get3A_9 = arith.constant 0 : index
    %get3A_10 = vector.load %arg3[%get3A_7, %get3A_8, %get3A_9] : memref<1x5000x128xf32, #tpu.memory_space<vmem>>, vector<1x5000x128xf32>
    %get3A_11 = vector.shape_cast %get3A_10 : vector<1x5000x128xf32> to vector<5000x128xf32>
    %add3A = arith.addf %get3A_6, %get3A_11 : vector<5000x128xf32>
    %concatenate3A = tpu.concatenate %get3A_1, %add3A in 1 : vector<5000x128xf32>, vector<5000x128xf32> -> vector<5000x256xf32>
    %get3A_12 = arith.constant 0 : index
    %get3A_13 = arith.constant 0 : index
    %get3A_14 = vector.load %arg4[%get3A_12, %get3A_13] : memref<256x256xf32, #tpu.memory_space<vmem>>, vector<256x256xf32>
    %dot_general3A = arith.constant dense<0.000000e+00> : vector<5000x256xf32>
    %dot_general3A_15 = tpu.matmul %concatenate3A, %get3A_14, %dot_general3A {dimension_numbers = #tpu.dot_dimension_numbers<[1], [0], [0], [1], [0, 0, 1, 1], [], []>, transpose_lhs_hint = false} : vector<5000x256xf32>, vector<256x256xf32>, vector<5000x256xf32> -> vector<5000x256xf32>
    %get3A_16 = arith.constant 0 : index
    %get3A_17 = arith.constant 0 : index
    %get3A_18 = vector.load %arg5[%get3A_16, %get3A_17] : memref<1x256xf32, #tpu.memory_space<vmem>>, vector<1x256xf32>
    %add3A_19 = vector.broadcast %get3A_18 : vector<1x256xf32> to vector<5000x256xf32>
    %add3A_20 = arith.addf %dot_general3A_15, %add3A_19 : vector<5000x256xf32>
    %logistic3A = arith.negf %add3A_20 : vector<5000x256xf32>
    %logistic3A_21 = math.exp %logistic3A : vector<5000x256xf32>
    %logistic3A_22 = arith.constant 1.000000e+00 : f32
    %logistic3A_23 = vector.broadcast %logistic3A_22 : f32 to vector<5000x256xf32>
    %logistic3A_24 = arith.addf %logistic3A_23, %logistic3A_21 : vector<5000x256xf32>
    %logistic3A_25 = arith.divf %logistic3A_23, %logistic3A_24 : vector<5000x256xf32>
    %mul3A = arith.mulf %add3A_20, %logistic3A_25 : vector<5000x256xf32>
    %get3A_26 = arith.constant 0 : index
    %get3A_27 = arith.constant 0 : index
    %get3A_28 = vector.load %arg6[%get3A_26, %get3A_27] : memref<256x128xf32, #tpu.memory_space<vmem>>, vector<256x128xf32>
    %dot_general3A_29 = arith.constant dense<0.000000e+00> : vector<5000x128xf32>
    %dot_general3A_30 = tpu.matmul %mul3A, %get3A_28, %dot_general3A_29 {dimension_numbers = #tpu.dot_dimension_numbers<[1], [0], [0], [1], [0, 0, 1, 1], [], []>, transpose_lhs_hint = false} : vector<5000x256xf32>, vector<256x128xf32>, vector<5000x128xf32> -> vector<5000x128xf32>
    %get3A_31 = arith.constant 0 : index
    %get3A_32 = arith.constant 0 : index
    %get3A_33 = vector.load %arg7[%get3A_31, %get3A_32] : memref<1x128xf32, #tpu.memory_space<vmem>>, vector<1x128xf32>
    %add3A_34 = vector.broadcast %get3A_33 : vector<1x128xf32> to vector<5000x128xf32>
    %add3A_35 = arith.addf %dot_general3A_30, %add3A_34 : vector<5000x128xf32>
    %reduce_sum3A = arith.constant dense<0.000000e+00> : vector<5000xf32>
    %reduce_sum3A_36 = vector.multi_reduction <add>, %add3A_35, %reduce_sum3A [1] : vector<5000x128xf32> to vector<5000xf32>
    %broadcast_in_dim3A = vector.shape_cast %reduce_sum3A_36 : vector<5000xf32> to vector<5000x1xf32>
    %div3A = arith.constant 1.280000e+02 : f32
    %div3A_37 = vector.broadcast %div3A : f32 to vector<5000x1xf32>
    %div3A_38 = arith.divf %broadcast_in_dim3A, %div3A_37 : vector<5000x1xf32>
    %sub3A = vector.broadcast %div3A_38 : vector<5000x1xf32> to vector<5000x128xf32>
    %sub3A_39 = arith.subf %add3A_35, %sub3A : vector<5000x128xf32>
    %mul3A_40 = arith.mulf %sub3A_39, %sub3A_39 : vector<5000x128xf32>
    %reduce_sum3A_41 = arith.constant dense<0.000000e+00> : vector<5000xf32>
    %reduce_sum3A_42 = vector.multi_reduction <add>, %mul3A_40, %reduce_sum3A_41 [1] : vector<5000x128xf32> to vector<5000xf32>
    %broadcast_in_dim3A_43 = vector.shape_cast %reduce_sum3A_42 : vector<5000xf32> to vector<5000x1xf32>
    %div3A_44 = arith.constant 1.280000e+02 : f32
    %div3A_45 = vector.broadcast %div3A_44 : f32 to vector<5000x1xf32>
    %div3A_46 = arith.divf %broadcast_in_dim3A_43, %div3A_45 : vector<5000x1xf32>
    %add3A_47 = arith.constant 9.99999974E-6 : f32
    %add3A_48 = vector.broadcast %add3A_47 : f32 to vector<5000x1xf32>
    %add3A_49 = arith.addf %div3A_46, %add3A_48 : vector<5000x1xf32>
    %rsqrt3A = math.rsqrt %add3A_49 : vector<5000x1xf32>
    %mul3A_50 = vector.broadcast %rsqrt3A : vector<5000x1xf32> to vector<5000x128xf32>
    %mul3A_51 = arith.mulf %sub3A_39, %mul3A_50 : vector<5000x128xf32>
    %get3A_52 = arith.constant 0 : index
    %get3A_53 = arith.constant 0 : index
    %get3A_54 = vector.load %arg8[%get3A_52, %get3A_53] : memref<1x128xf32, #tpu.memory_space<vmem>>, vector<1x128xf32>
    %mul3A_55 = vector.broadcast %get3A_54 : vector<1x128xf32> to vector<5000x128xf32>
    %mul3A_56 = arith.mulf %mul3A_51, %mul3A_55 : vector<5000x128xf32>
    %add3A_57 = arith.addf %get3A_1, %mul3A_56 : vector<5000x128xf32>
    %get3A_58 = arith.constant 0 : index
    %get3A_59 = arith.constant 0 : index
    %get3A_60 = vector.load %arg9[%get3A_58, %get3A_59] : memref<1x128xf32, #tpu.memory_space<vmem>>, vector<1x128xf32>
    %add3A_61 = vector.broadcast %get3A_60 : vector<1x128xf32> to vector<5000x128xf32>
    %add3A_62 = arith.addf %add3A_57, %add3A_61 : vector<5000x128xf32>
    %swap3A = arith.constant 0 : index
    %swap3A_63 = arith.constant 0 : index
    %swap3A_64 = vector.load %arg10[%swap3A, %swap3A_63] : memref<5000x128xf32, #tpu.memory_space<vmem>>, vector<5000x128xf32>
    tpu.vector_store %arg10[%swap3A, %swap3A_63], %add3A_62 {strides = array<i32>} : memref<5000x128xf32, #tpu.memory_space<vmem>>, vector<5000x128xf32>,
    return
  }
  func.func @transform_0(%arg0: i32) -> (i32, i32) {
    %c0_i32 = arith.constant 0 : i32
    %c0_i32_0 = arith.constant 0 : i32
    return %arg0, %c0_i32 : i32, i32
  }
  func.func @transform_1(%arg0: i32) -> (i32, i32, i32) {
    %c0_i32 = arith.constant 0 : i32
    %c0_i32_0 = arith.constant 0 : i32
    %c0_i32_1 = arith.constant 0 : i32
    return %c0_i32, %arg0, %c0_i32_0 : i32, i32, i32
  }
  func.func @transform_2(%arg0: i32) -> (i32, i32, i32) {
    %c1_i32 = arith.constant 1 : i32
    %c0_i32 = arith.constant 0 : i32
    %c0_i32_0 = arith.constant 0 : i32
    return %c1_i32, %arg0, %c0_i32 : i32, i32, i32
  }
  func.func @transform_3(%arg0: i32) -> (i32, i32) {
    %c0_i32 = arith.constant 0 : i32
    %c0_i32_0 = arith.constant 0 : i32
    %c0_i32_1 = arith.constant 0 : i32
    return %c0_i32, %c0_i32_0 : i32, i32
  }
  func.func @transform_4(%arg0: i32) -> (i32, i32) {
    %c0_i32 = arith.constant 0 : i32
    %c0_i32_0 = arith.constant 0 : i32
    %c0_i32_1 = arith.constant 0 : i32
    return %c0_i32, %c0_i32_0 : i32, i32
  }
  func.func @transform_5(%arg0: i32) -> (i32, i32) {
    %c0_i32 = arith.constant 0 : i32
    %c0_i32_0 = arith.constant 0 : i32
    %c0_i32_1 = arith.constant 0 : i32
    return %c0_i32, %c0_i32_0 : i32, i32
  }
  func.func @transform_6(%arg0: i32) -> (i32, i32) {
    %c0_i32 = arith.constant 0 : i32
    %c0_i32_0 = arith.constant 0 : i32
    %c0_i32_1 = arith.constant 0 : i32
    return %c0_i32, %c0_i32_0 : i32, i32
  }
  func.func @transform_7(%arg0: i32) -> (i32, i32) {
    %c0_i32 = arith.constant 0 : i32
    %c0_i32_0 = arith.constant 0 : i32
    %c0_i32_1 = arith.constant 0 : i32
    return %c0_i32, %c0_i32_0 : i32, i32
  }
  func.func @transform_8(%arg0: i32) -> (i32, i32) {
    %c0_i32 = arith.constant 0 : i32
    %c0_i32_0 = arith.constant 0 : i32
    %c0_i32_1 = arith.constant 0 : i32
    return %c0_i32, %c0_i32_0 : i32, i32
  }
  func.func @transform_9(%arg0: i32) -> (i32, i32) {
    %c0_i32 = arith.constant 0 : i32
    %c0_i32_0 = arith.constant 0 : i32
    return %arg0, %c0_i32 : i32, i32
  }
}

</mosaic_0001>

<sc_bundles>
// kernel: kernel.4.cloned.1.call-start
scs
__scs_entry_jumppad:
0x0: {  	(pc) =	sbr.rel $0x88, $3  }
0x1: {  	(tag) =	ssettag $0x0;
	lr =	simm.s32 $0x1  }
0x2: {  	[smem:$0x3F98] =	sst lr;
	_ =	strace $0xD0000000  }
0x3: {  	_ = 	snop  }
0x4: {  	_ = 	snop  }
0x5: {  	_ = 	snop  }
0x6: {  	_ = 	snop  }
0x7: {  	_ = 	snop  }
__scs_overlays_trampoline_lowered:
0x8: {  	[smem:$0x3FA7] =	sst s0  }
0x9: {  	[smem:$0x3FA8] =	sst s1  }
0xa: {  	[smem:$0x3FA9] =	sst s2  }
0xb: {  	[smem:$0x3FAA] =	sst s3  }
0xc: {  	[smem:$0x3FAB] =	sst s4  }
0xd: {  	[smem:$0x3FAC] =	sst s5  }
0xe: {  	[smem:$0x3FAD] =	sst s6  }
0xf: {  	[smem:$0x3FAE] =	sst s7  }
0x10: {  	[smem:$0x3FAF] =	sst s8  }
0x11: {  	[smem:$0x3FB0] =	sst s9;
	s0 =	simm.s32 @!p0 $0x0  }
0x12: {  	s1 =	sld [smem:$0x3F96];
	s0 =	simm.s32 @p0 $0x1  }
0x13: {  	[smem:$0x3FB1] =	sst s0;
	s0 =	simm.s32 @!p1 $0x0  }
0x14: {  	s2 =	sld [smem:$0x3F95];
	s0 =	simm.s32 @p1 $0x1  }
0x15: {  	[smem:$0x3FB2] =	sst s0;
	s0 =	simm.s32 @!p2 $0x0  }
0x16: {  	s3 =	sld [smem:$0x3FDB];
	s0 =	simm.s32 @p2 $0x1  }
0x17: {  	s4 =	simm.s32 $0x1BF5;
	[smem:$0x3FB4] =	sst s0  }
0x18: {  	s0 =	sld [smem:$0x3F97];
	_ =	swait.ge [sflag:s4], $0x0  }
0x19: {  	s7 =	sld [smem:$0x3F98]  }
0x1a: {  	s8 =	sadd.s32 $0xFFFFE003, lr  }
0x1b: {  	s9 =	sadd.s32 $0xFFFFFEF7, lr;
	s5 =	simm.s32 $0xFFFFFFFF;
	p2 =	slt.u32 s8, $0xFFFFF086  }
0x1c: {  	p1 =	slt.u32 s9, $0xF7A;
	s5 =	simm.s32 @!p2 $0x0  }
0x1d: {  	s5 =	simm.s32 @p1 $0x1;
	p0 =	seq.s32 s7, s2  }
0x1e: {  	s7 =	smul.u32 @!p0 $0xF7A, s2;
	p2 =	seq.s32 @!p0 s5, $0x0  }
0x1f: {  	s9 =	smul.u32 $0xF7A, s1;
	s8 =	simm.s32 @!p0 $0x1BF5;
	p2 =	por !p2, p0  }
0x20: {  	[sflag:s8] =	ssyncset.s32 @!p0 $0xFFFFF086;
	s6 =	sadd.s32 @!p0 s3, s7;
	s7 =	simm.s32 @!p0 $0x108  }
0x21: {  	s3 =	sadd.s32 s3, s9;
	s6 =	sadd.s32 @!p0 $0x88, s6;
	s7 =	simm.s32 @p2 $0x1082  }
0x22: {  	[simem:s7], [sflag:s8] =	dma.local @!p0 [hbm:s6], $0xF7A  }
0x23: {  	s9 =	sor.u32 $0xD0000000, s2;
	s6 =	simm.s32 $0x108;
	_ =	swait.ge @!p0 [sflag:s8], $0x0  }
0x24: {  	s3 =	sadd.s32 $0x88, s3;
	s6 =	simm.s32 @!p1 $0x1082;
	[sflag:s4] =	ssyncset.s32 $0xFFFFF086  }
0x25: {  	[simem:s6], [sflag:s4] =	dma.local [hbm:s3], $0xF7A  }
0x26: {  	[smem:$0x3F98] =	sst s1;
	(tag) =	ssettag s2;
	_ =	strace s9  }
0x27: {  	s1 =	sld [smem:$0x3FA8]  }
0x28: {  	s2 =	sld [smem:$0x3FA9]  }
0x29: {  	s4 =	sld [smem:$0x3FAB]  }
0x2a: {  	p0 =	seq.s32 s5, $0x0;
	s5 =	sld [smem:$0x3FAC]  }
0x2b: {  	s6 =	sld [smem:$0x3FAD]  }
0x2c: {  	s7 =	sld [smem:$0x3FAE]  }
0x2d: {  	s3 =	simm.s32 $0x108;
	s8 =	sld [smem:$0x3FAF]  }
0x2e: {  	s3 =	simm.s32 @!p0 $0x1082;
	s9 =	sld [smem:$0x3FB0]  }
0x2f: {  	lr =	sadd.s32 s0, s3;
	s0 =	sld [smem:$0x3FA7]  }
0x30: {  	s3 =	sld [smem:$0x3FAA]  }
0x31: {  	[smem:$0x3FB3] =	sst s10  }
0x32: {  	s10 =	sld [smem:$0x3FB1];
	_ =	sdelay $0x3  }
0x33: {  	p0 =	seq.s32 s10, $0x1;
	s10 =	sld [smem:$0x3FB3];
	_ =	sdelay $0x3  }
0x34: {  	[smem:$0x3FB3] =	sst s10  }
0x35: {  	s10 =	sld [smem:$0x3FB2];
	_ =	sdelay $0x3  }
0x36: {  	p1 =	seq.s32 s10, $0x1;
	s10 =	sld [smem:$0x3FB3];
	_ =	sdelay $0x3  }
0x37: {  	[smem:$0x3FB3] =	sst s10  }
0x38: {  	s10 =	sld [smem:$0x3FB4]  }
0x39: {  	_ = 	snop;
	(pc) =	sbr.ind lr, $3  }
0x3a: {  	_ = 	snop  }
0x3b: {  	_ = 	snop  }
0x3c: {  	p2 =	seq.s32 s10, $0x1;
	s10 =	sld [smem:$0x3FB3]  }
0x3d: {  	_ =	shalt  }
0x3e: {  	_ =	shalt  }
0x3f: {  	_ =	shalt  }
0x40: {  	_ =	shalt  }
0x41: {  	_ =	shalt  }
0x42: {  	_ =	shalt  }
0x43: {  	_ =	shalt  }
0x44: {  	_ =	shalt  }
0x45: {  	_ =	shalt  }
0x46: {  	_ =	shalt  }
0x47: {  	_ =	shalt  }
0x48: {  	_ =	shalt  }
0x49: {  	_ =	shalt  }
0x4a: {  	_ =	shalt  }
0x4b: {  	_ =	shalt  }
0x4c: {  	_ =	shalt  }
0x4d: {  	_ =	shalt  }
0x4e: {  	_ =	shalt  }
0x4f: {  	_ =	shalt  }
0x50: {  	_ =	shalt  }
0x51: {  	_ =	shalt  }
0x52: {  	_ =	shalt  }
0x53: {  	_ =	shalt  }
0x54: {  	_ =	shalt  }
0x55: {  	_ =	shalt  }
0x56: {  	_ =	shalt  }
0x57: {  	_ =	shalt  }
0x58: {  	_ =	shalt  }
0x59: {  	_ =	shalt  }
0x5a: {  	_ =	shalt  }
0x5b: {  	_ =	shalt  }
0x5c: {  	_ =	shalt  }
0x5d: {  	_ =	shalt  }
0x5e: {  	_ =	shalt  }
0x5f: {  	_ =	shalt  }
0x60: {  	_ =	shalt  }
0x61: {  	_ =	shalt  }
0x62: {  	_ =	shalt  }
0x63: {  	_ =	shalt  }
0x64: {  	_ =	shalt  }
0x65: {  	_ =	shalt  }
0x66: {  	_ =	shalt  }
0x67: {  	_ =	shalt  }
0x68: {  	_ =	shalt  }
0x69: {  	_ =	shalt  }
0x6a: {  	_ =	shalt  }
0x6b: {  	_ =	shalt  }
0x6c: {  	_ =	shalt  }
0x6d: {  	_ =	shalt  }
0x6e: {  	_ =	shalt  }
0x6f: {  	_ =	shalt  }
0x70: {  	_ =	shalt  }
0x71: {  	_ =	shalt  }
0x72: {  	_ =	shalt  }
0x73: {  	_ =	shalt  }
0x74: {  	_ =	shalt  }
0x75: {  	_ =	shalt  }
0x76: {  	_ =	shalt  }
0x77: {  	_ =	shalt  }
0x78: {  	_ =	shalt  }
0x79: {  	_ =	shalt  }
0x7a: {  	_ =	shalt  }
0x7b: {  	_ =	shalt  }
0x7c: {  	_ =	shalt  }
0x7d: {  	_ =	shalt  }
0x7e: {  	_ =	shalt  }
0x7f: {  	_ =	shalt  }
0x80: {  	_ =	shalt  }
0x81: {  	_ =	shalt  }
0x82: {  	_ =	shalt  }
0x83: {  	_ =	shalt  }
0x84: {  	_ =	shalt  }
0x85: {  	_ =	shalt  }
0x86: {  	_ =	shalt  }
0x87: {  	_ =	shalt  }
.Lfunc_end0:
.L_simem_size_0:
called_computation_lowered:
.L_overlay_start_0:
0x88: {  	s2 =	sld [smem:$0x3FD9]  }
0x89: {  	s3 =	sld [smem:$0x3FFE];
	_ =	sdelay $0x1  }
0x8a: {  	s1 =	srdreg.scid  }
0x8b: {  	s0 =	sand.u32 $0x1, s1  }
0x8c: {  	s17 =	sshll.u32 s0, $0xA;
	s2 =	sadd.s32 s3, s2  }
0x8d: {  	s2 =	sadd.s32 s2, s17  }
0x8e: {  	[smem:$0x3FBF] =	sst s2  }
0x8f: {  	_ = 	snop  }
0x90: {  	s2 =	sld [smem:$0x3FC8]  }
0x91: {  	s18 =	sld [smem:$0x3FC7]  }
0x92: {  	s4 =	sld [smem:$0x3FD0];
	(tm) =	ssettm $0x1  }
0x93: {  	s5 =	sld [smem:$0x3FFB];
	_ =	sdelay $0x3  }
0x94: {  	_ =	strace s5  }
0x95: {  	s5 =	sld [smem:$0x3FFC];
	_ =	sdelay $0x3  }
0x96: {  	_ =	strace s5  }
0x97: {  	s5 =	sld [smem:$0x3FFD];
	_ =	sdelay $0x3  }
0x98: {  	_ =	strace s5  }
0x99: {  	_ =	strace $0x8FFFFFFF  }
0x9a: {  	s19 =	sld [smem:$0x3FDB];
	_ =	sdelay $0x1  }
0x9b: {  	s6 =	simm.s32 $_scs_section_size  }
0x9c: {  	s7 =	simm.s32 $_size__tile_overlayer_lowered;
	s8 =	simm.s32 $_tile_overlayer_lowered  }
0x9d: {  	s22 =	simm.s32 $0x1BFF;
	s21 =	sshll.u32 s8, $0x1;
	s5 =	sadd.s32 s6, s19  }
0x9e: {  	s9 =	simm.s32 $0x0;
	s20 =	sshll.u32 s7, $0x1;
	s7 =	sadd.s32 s21, s5  }
0x9f: {  	[timem:s9], [sflag:s22] =	dma.local [hbm:s7], s20  }
0xa0: {  	_ =	swait.ge [sflag:s22], s20  }
0xa1: {  	s6 =	ssub.s32 $0x0, s20;
	[sflag:s22] =	ssyncset.done $0x0  }
0xa2: {  	[sflag:s22] =	ssyncadd.s32 s6;
	_ =	sdelay $0x1  }
0xa3: {  	s23 =	simm.s32 $0x1B8B  }
0xa4: {  	_ =	swait.ge [sflag:s23], $0x1  }
0xa5: {  	[sflag:s23] =	ssyncset.done $0x0  }
0xa6: {  	s25 =	simm.s32 $0x1B8E;
	s24 =	sld [smem:$0x3FFE];
	[sflag:s23] =	ssyncadd.s32 $0xFFFFFFFF  }
0xa7: {  	s26 =	simm.s32 $execute0_lowered;
	[smem:$0x3FD2] =	sst s25  }
0xa8: {  	s7 =	sshll.u32 s26, $0x1;
	_ =	strace $0x80000046;
	[dreg:$0x1] =	wrdreg $0xFFFFFFFF  }
0xa9: {  	s28 =	simm.s32 $_size_execute0_lowered;
	s5 =	sadd.s32 s5, s7;
	[dreg:$0x0] =	wrdreg $0x0  }
0xaa: {  	s7 =	sshll.u32 s28, $0x1;
	[dreg:$0x2] =	wrdreg s5  }
0xab: {  	[dreg:$0x3] =	wrdreg s7  }
0xac: {  	[dreg:$0x4] =	wrdreg $0xC0  }
0xad: {  	_ =	task [dreg:s9], $0x5FFFF  }
0xae: {  	[dreg:$0x1] =	wrdreg $0xFFFFFFFF  }
0xaf: {  	[dreg:$0x0] =	wrdreg $0x60  }
0xb0: {  	[dreg:$0x2] =	wrdreg s2  }
0xb1: {  	[dreg:$0x3] =	wrdreg s18  }
0xb2: {  	[dreg:$0x4] =	wrdreg s4  }
0xb3: {  	[dreg:$0x5] =	wrdreg s24  }
0xb4: {  	[dreg:$0x6] =	wrdreg $0x83000  }
0xb5: {  	[dreg:$0x7] =	wrdreg $0x9  }
0xb6: {  	_ =	task.clear_ibuf [dreg:s9], $0x8FFFF;
	_ =	strace $0x90000046  }
0xb7: {  	s29 =	simm.s32 $0x9;
	_ =	strace $0x80000048  }
0xb8: {  	_ =	swait.ge [sflag:s29], $0x1  }
0xb9: {  	[sflag:s29] =	ssyncadd.s32 $0xFFFFFFFF  }
0xba: {  	_ =	strace $0x90000048  }
0xbb: {  	_ =	sfence  }
0xbc: {  	s30 =	sld [smem:$0x0];
	_ =	sdelay $0x2  }
0xbd: {  	s31 =	sshll.u32 s1, $0xD;
	s1 =	sshrl.u32 s1, $0x2  }
0xbe: {  	s3 =	sand.u32 $0x4000, s31;
	s1 =	sadd.s32 s1, s30  }
0xbf: {  	s0 =	sor.u32 s3, s0;
	s1 =	sshll.u32 s1, $0x11  }
0xc0: {  	s0 =	sor.u32 s1, s0  }
0xc1: {  	s0 =	sadd.s32 $0x8F2B, s0  }
0xc2: {  	[sflag:s0] =	ssyncadd.remote.s32 $0x1  }
0xc3: {  	_ =	sfence.sel $0xFFFF  }
0xc4: {  	[dreg:$0x0] =	wrdreg $0xFFFFFFFF;
	(pc) =	sbr.abs _section_cstart, $3  }
0xc5: {  	[dreg:$0x1] =	wrdreg $0xFFFFFFFF  }
0xc6: {  	_ =	task.clear_ibuf [dreg:s9], $0x2FFFF;
	_ =	strace $0x9FFFFFFF  }
0xc7: {  	(tm) =	ssettm $0x7FFFFFFF  }
tec
execute0_lowered:
.L_overlay_start_1:
0x0: {  	(tag) =	ssettag $0x1  }
0x1: {  	s1 =	rddreg [dreg:$0x0]  }
0x2: {  	s0 =	rddreg [dreg:$0x1]  }
0x3: {  	s2 =	rddreg [dreg:$0x3]  }
0x4: {  	s3 =	rddreg [dreg:$0x4];
	s4 =	srdreg.scid;
	s5 =	simm.s32 $0x0  }
0x5: {  	s21 =	stileid.u32;
	s28 =	simm.s32 $0x2;
	s29 =	simm.s32 $0x4  }
0x6: {  	s30 =	simm.s32 $0x180;
	s31 =	simm.s32 $0x0;
	s18 =	smul.u32 $0x13800, s21  }
0x7: {  	s4 =	sand.u32 $0x1, s4;
	[smem:$0x7FF] =	sst s5;
	s22 =	smul.u32 $0x2700, s21  }
0x8: {  	s2 =	sadd.s32 $0x1400, s2;
	s20 =	sand.u32 $0x7, s21;
	s24 =	smul.u32 $0x27000, s21  }
0x9: {  	p1 =	sne.s32 s21, $0xF;
	s6 =	sshll.u32 s4, $0x4;
	s7 =	ssub.s32 $0x2, s4  }
0xa: {  	_ =	strace $0x80000047;
	s16 =	smul.u32 $0x138800, s4;
	s6 =	sor.u32 s21, s6  }
0xb: {  	p0 =	sne.s32 s20, $0x0;
	s8 =	sshrl.u32 s7, $0x1;
	s9 =	smul.u32 $0x9C0, s6  }
0xc: {  	s20 =	simm.s32 $0x100;
	s7 =	ssub.s32 s7, s8;
	s11 =	smul.u32 $0x2700, s6  }
0xd: {  	s13 =	sshrl.u32 s6, $0x3;
	s6 =	smul.u32 $0x27000, s6;
	s23 =	sshrl.u32 s16, $0x3  }
0xe: {  	s12 =	sshll.u32 s13, $0x5;
	s19 =	sshll.u32 s13, $0xB;
	s9 =	sadd.s32 s1, s9  }
0xf: {  	s8 =	sor.u32 $0x80, s11;
	s11 =	smul.u32 $0x4E000, s21;
	s6 =	sadd.s32 s0, s6  }
0x10: {  	s21 =	simm.s32 $0x300;
	[dreg:$0x6] =	wrdreg s9;
	s10 =	sshrl.u32 s8, $0x2  }
0x11: {  	s9 =	sadd.s32 s12, s1;
	[dreg:$0x9] =	wrdreg s6;
	s14 =	sshll.u32 s8, $0x4  }
0x12: {  	s12 =	sadd.s32 $0x138000, s3;
	s8 =	sadd.s32 s19, s0;
	s10 =	sadd.s32 s1, s10  }
0x13: {  	s9 =	sadd.s32 $0x13800, s9;
	s6 =	sadd.s32 s0, s14;
	[dreg:$0x7] =	wrdreg s10  }
0x14: {  	s15 =	sshrl.u32 s11, $0x2;
	s13 =	sadd.s32 $0x4E0000, s8;
	[dreg:$0xa] =	wrdreg s6  }
0x15: {  	s17 =	sadd.s32 s15, s3;
	s15 =	smul.u32 $0x270000, s4;
	s6 =	sadd.s32 s18, s16  }
0x16: {  	[dreg:$0x8] =	wrdreg s9;
	s4 =	smul.u32 $0x27000, s4;
	s6 =	sshrl.u32 s6, $0x3  }
0x17: {  	s16 =	smax.u32 s7, $0x1;
	[dreg:$0xb] =	wrdreg s17;
	s14 =	sadd.s32 s2, s6  }
0x18: {  	s2 =	sadd.s32 s2, s23;
	s0 =	sadd.s32 s15, s0;
	s4 =	sadd.s32 s22, s4  }
0x19: {  	s22 =	simm.s32 $0x4300;
	s23 =	simm.s32 $0x6;
	s15 =	sadd.s32 $0x27000, s2  }
0x1a: {  	s0 =	sadd.s32 s24, s0;
	s25 =	sadd.s32 $0x180, s4;
	s19 =	sadd.s32 $0x100, s4  }
0x1b: {  	s24 =	simm.s32 $0x1;
	s17 =	sadd.s32 $0x1800, s0;
	s26 =	sshrl.u32 s25, $0x2  }
0x1c: {  	s25 =	simm.s32 $0x3;
	s18 =	sadd.s32 s26, s1;
	s26 =	simm.s32 $0x80  }
.LBB2_1:
0x1d: {  	s0 =	rddreg [dreg:$0x6]  }
0x1e: {  	s4 =	rddreg [dreg:$0x7]  }
0x1f: {  	s6 =	rddreg [dreg:$0x9]  }
0x20: {  	[tilespmem:s5], [sflag:$0x3] =	stream.linear.gather [hbm4b:s0+s5], $0x100, $0x38;
	[tilespmem:$0x1BB80] =	vst v63  }
0x21: {  	s2 =	simm.s32 @!p0 $0x200;
	s7 =	rddreg [dreg:$0xa]  }
0x22: {  	[tilespmem:s20], [sflag:$0x4] =	stream.linear.gather [hbm4b:s4+s5], $0x100, $0x38;
	[tilespmem:$0x1BB80] =	vst v63  }
0x23: {  	s8 =	stileid.u32;
	s0 =	simm.s32 @!p0 $0x0;
	s4 =	rddreg [dreg:$0x8]  }
0x24: {  	[tilespmem:s2], [sflag:$0x5] =	stream.linear.gather @!p0 [hbm4b:s4+s0], $0x100, $0x38;
	[tilespmem:$0x1BB80] =	vst v63  }
0x25: {  	s9 =	rddreg [dreg:$0xb];
	s0 =	sshll.u32 s8, $0x6  }
0x26: {  	[tilespmem:s21], [sflag:$0x1] =	stream.linear.gather [hbm4b:s6+s5], $0x4000, $0x38;
	[tilespmem:$0x1BB80] =	vst v63  }
0x27: {  	s4 =	sshrl.u32 s9, $0x3;
	s0 =	sor.u32 $0x1C06, s0;
	s6 =	rddreg [dreg:$0x2]  }
0x28: {  	[tilespmem:s22], [sflag:$0x2] =	stream.linear.gather [hbm4b:s7+s5], $0x4000, $0x38;
	[tilespmem:$0x1BB80] =	vst v63  }
0x29: {  	[spmem:s4], [sflag:s0] =	dma.local [hbm:s6], $0x2700  }
0x2a: {  	_ =	swait.ge [sflag:s23], $0x2700  }
0x2b: {  	[sflag:s23] =	ssyncset.done $0x0  }
0x2c: {  	s2 =	sshrl.u32 @!p1 s12, $0x3;
	[sflag:s23] =	ssyncadd.s32 $0xFFFFD900  }
0x2d: {  	[spmem:s2], [sflag:s0] =	dma.local @!p1 [hbm:s6], $0x100  }
0x2e: {  	s6 =	simm.s32 @!p1 $0x6  }
0x2f: {  	_ =	swait.ge @!p1 [sflag:s6], $0x100  }
0x30: {  	[sflag:s6] =	ssyncset.done @!p1 $0x0  }
0x31: {  	[sflag:s6] =	ssyncadd.s32 @!p1 $0xFFFFFF00  }
0x32: {  	[bflag:$0x0] =	sbarrier.arrive $0xFFFF  }
0x33: {  	_ =	swait.ge [sflag:s24], $0x4000  }
0x34: {  	[sflag:s24] =	ssyncset.done $0x0  }
0x35: {  	[sflag:s24] =	ssyncadd.s32 $0xFFFFC000  }
0x36: {  	_ =	swait.ge [sflag:s25], $0x100  }
0x37: {  	[sflag:s25] =	ssyncset.done $0x0  }
0x38: {  	[sflag:s25] =	ssyncadd.s32 $0xFFFFFF00  }
0x39: {  	[spmem:s3] =	stream.indirect.scatter.add.f32 [tilespmem:s21], [sflag:$0x6], $0x80, s26, s26, $0xb8;
	[tilespmem:$0x1BB80] =	vst v63  }
0x3a: {  	_ =	swait.ge [sflag:s23], $0x4000  }
0x3b: {  	[sflag:s23] =	ssyncset.done $0x0  }
0x3c: {  	s10 =	sadd.s32 $0xFFFFF800, s17;
	s7 =	sshrl.u32 s19, $0x2;
	[sflag:s23] =	ssyncadd.s32 $0xFFFFC000  }
0x3d: {  	[tilespmem:s21], [sflag:$0x1] =	stream.linear.gather [hbm4b:s10+s5], $0x4000, $0x38;
	[tilespmem:$0x1BB80] =	vst v63  }
0x3e: {  	s11 =	sadd.s32 s1, s7  }
0x3f: {  	[tilespmem:s5], [sflag:$0x3] =	stream.linear.gather [hbm4b:s11+s5], $0x100, $0x38;
	[tilespmem:$0x1BB80] =	vst v63  }
0x40: {  	_ =	swait.ge [sflag:s28], $0x4000  }
0x41: {  	[sflag:s28] =	ssyncset.done $0x0  }
0x42: {  	[sflag:s28] =	ssyncadd.s32 $0xFFFFC000  }
0x43: {  	_ =	swait.ge [sflag:s29], $0x100  }
0x44: {  	[sflag:s29] =	ssyncset.done $0x0  }
0x45: {  	[sflag:s29] =	ssyncadd.s32 $0xFFFFFF00  }
0x46: {  	[spmem:s3] =	stream.indirect.scatter.add.f32 [tilespmem:s22], [sflag:$0x6], $0x80, s30, s26, $0xb8;
	[tilespmem:$0x1BB80] =	vst v63  }
0x47: {  	_ =	swait.ge [sflag:s23], $0x4000  }
0x48: {  	s9 =	sadd.s32 $0x0, s18;
	s8 =	sadd.s32 $0x100, s19;
	[sflag:s23] =	ssyncset.done $0x0  }
0x49: {  	s7 =	sadd.s32 $0x1000, s17;
	s6 =	simm.s32 $0x40;
	[sflag:s23] =	ssyncadd.s32 $0xFFFFC000  }
0x4a: {  	[tilespmem:s22], [sflag:$0x2] =	stream.linear.gather [hbm4b:s17+s5], $0x4000, $0x38;
	[tilespmem:$0x1BB80] =	vst v63  }
.LBB2_2:
0x4b: {  	[tilespmem:s20], [sflag:$0x4] =	stream.linear.gather [hbm4b:s9+s5], $0x100, $0x38;
	[tilespmem:$0x1BB80] =	vst v63  }
0x4c: {  	s9 =	smov.u32 s6  }
0x4d: {  	p2 =	sne.s32 s6, $0x940;
	s6 =	sadd.s32 $0x40, s6;
	_ =	swait.ge [sflag:s24], $0x4000  }
0x4e: {  	[sflag:s24] =	ssyncset.done $0x0  }
0x4f: {  	[sflag:s24] =	ssyncadd.s32 $0xFFFFC000  }
0x50: {  	_ =	swait.ge [sflag:s25], $0x100  }
0x51: {  	[sflag:s25] =	ssyncset.done $0x0  }
0x52: {  	[sflag:s25] =	ssyncadd.s32 $0xFFFFFF00  }
0x53: {  	[spmem:s3] =	stream.indirect.scatter.add.f32 [tilespmem:s21], [sflag:$0x6], $0x80, s26, s26, $0xb8;
	[tilespmem:$0x1BB80] =	vst v63  }
0x54: {  	_ =	swait.ge [sflag:s23], $0x4000  }
0x55: {  	[sflag:s23] =	ssyncset.done $0x0  }
0x56: {  	s10 =	sadd.s32 $0xFFFFF800, s7;
	s11 =	sshrl.u32 s8, $0x2;
	[sflag:s23] =	ssyncadd.s32 $0xFFFFC000  }
0x57: {  	[tilespmem:s21], [sflag:$0x1] =	stream.linear.gather [hbm4b:s10+s5], $0x4000, $0x38;
	[tilespmem:$0x1BB80] =	vst v63  }
0x58: {  	s10 =	sadd.s32 s1, s11  }
0x59: {  	[tilespmem:s5], [sflag:$0x3] =	stream.linear.gather [hbm4b:s10+s5], $0x100, $0x38;
	[tilespmem:$0x1BB80] =	vst v63  }
0x5a: {  	_ =	swait.ge [sflag:s28], $0x4000  }
0x5b: {  	[sflag:s28] =	ssyncset.done $0x0  }
0x5c: {  	[sflag:s28] =	ssyncadd.s32 $0xFFFFC000  }
0x5d: {  	_ =	swait.ge [sflag:s29], $0x100  }
0x5e: {  	[sflag:s29] =	ssyncset.done $0x0  }
0x5f: {  	[sflag:s29] =	ssyncadd.s32 $0xFFFFFF00  }
0x60: {  	[spmem:s3] =	stream.indirect.scatter.add.f32 [tilespmem:s22], [sflag:$0x6], $0x80, s30, s26, $0xb8;
	[tilespmem:$0x1BB80] =	vst v63  }
.Ltmp0:
0x61: {  	_ =	swait.ge [sflag:s23], $0x4000;
	(pc) =	sbr.rel @p2 .LBB2_2-.Ltmp0, $4  }
0x62: {  	[sflag:s23] =	ssyncset.done $0x0  }
0x63: {  	[sflag:s23] =	ssyncadd.s32 $0xFFFFC000  }
0x64: {  	[tilespmem:s22], [sflag:$0x2] =	stream.linear.gather [hbm4b:s7+s5], $0x4000, $0x38;
	[tilespmem:$0x1BB80] =	vst v63  }
0x65: {  	s8 =	sadd.s32 $0x100, s8;
	s9 =	sadd.s32 s9, s18;
	s7 =	sadd.s32 $0x1000, s7  }
0x66: {  	[tilespmem:s20], [sflag:$0x4] =	stream.linear.gather [hbm4b:s9+s5], $0x100, $0x38;
	[tilespmem:$0x1BB80] =	vst v63  }
0x67: {  	_ =	swait.ge [sflag:s24], $0x4000  }
0x68: {  	[sflag:s24] =	ssyncset.done $0x0  }
0x69: {  	[sflag:s24] =	ssyncadd.s32 $0xFFFFC000  }
0x6a: {  	_ =	swait.ge [sflag:s25], $0x100  }
0x6b: {  	[sflag:s25] =	ssyncset.done $0x0  }
0x6c: {  	[sflag:s25] =	ssyncadd.s32 $0xFFFFFF00  }
0x6d: {  	[spmem:s3] =	stream.indirect.scatter.add.f32 [tilespmem:s21], [sflag:$0x6], $0x80, s26, s26, $0xb8;
	[tilespmem:$0x1BB80] =	vst v63  }
0x6e: {  	_ =	swait.ge [sflag:s23], $0x4000  }
0x6f: {  	[sflag:s23] =	ssyncset.done $0x0  }
0x70: {  	[sflag:s23] =	ssyncadd.s32 $0xFFFFC000  }
0x71: {  	_ =	swait.ge [sflag:s28], $0x4000  }
0x72: {  	[sflag:s28] =	ssyncset.done $0x0  }
0x73: {  	[sflag:s28] =	ssyncadd.s32 $0xFFFFC000  }
0x74: {  	_ =	swait.ge [sflag:s29], $0x100  }
0x75: {  	[sflag:s29] =	ssyncset.done $0x0  }
0x76: {  	[sflag:s29] =	ssyncadd.s32 $0xFFFFFF00  }
0x77: {  	[spmem:s3] =	stream.indirect.scatter.add.f32 [tilespmem:s22], [sflag:$0x6], $0x80, s30, s26, $0xb8;
	[tilespmem:$0x1BB80] =	vst v63  }
0x78: {  	_ =	swait.ge [sflag:s23], $0x4000  }
0x79: {  	[sflag:s23] =	ssyncset.done $0x0  }
0x7a: {  	s6 =	simm.s32 @!p0 $0x0;
	s7 =	simm.s32 @!p0 $0x300;
	[sflag:s23] =	ssyncadd.s32 $0xFFFFC000  }
0x7b: {  	[tilespmem:s7], [sflag:$0x6] =	stream.linear.gather @!p0 [hbm4b:s13+s6], $0x4000, $0x38;
	[tilespmem:$0x1BB80] =	vst v63  }
0x7c: {  	s6 =	simm.s32 @!p0 $0x6  }
0x7d: {  	_ =	swait.ge @!p0 [sflag:s6], $0x4000  }
0x7e: {  	[sflag:s6] =	ssyncset.done @!p0 $0x0  }
0x7f: {  	s8 =	simm.s32 @!p0 $0x80;
	s9 =	simm.s32 @!p0 $0x280;
	[sflag:s6] =	ssyncadd.s32 @!p0 $0xFFFFC000  }
0x80: {  	[spmem:s3] =	stream.indirect.scatter.add.f32 @!p0 [tilespmem:s7], [sflag:$0x6], $0x80, s9, s8, $0xb8;
	[tilespmem:$0x1BB80] =	vst v63  }
0x81: {  	_ =	swait.ge @!p0 [sflag:s6], $0x4000  }
0x82: {  	[sflag:s6] =	ssyncset.done @!p0 $0x0  }
0x83: {  	[sflag:s6] =	ssyncadd.s32 @!p0 $0xFFFFC000  }
0x84: {  	[bflag:$0x0] =	sbarrier.arrive $0xFFFF  }
0x85: {  	[hbm:s14], [sflag:s0] =	dma.local [spmem:s4], $0x2700  }
0x86: {  	_ =	swait.ge [sflag:s23], $0x2700  }
0x87: {  	s31 =	sadd.s32 $0x1, s31;
	[sflag:s23] =	ssyncset.done $0x0  }
0x88: {  	p2 =	sne.s32 s31, s16;
	[sflag:s23] =	ssyncadd.s32 $0xFFFFD900  }
0x89: {  	[hbm:s15], [sflag:s0] =	dma.local @!p1 [spmem:s2], $0x100  }
.Ltmp1:
0x8a: {  	_ = 	snop;
	(pc) =	sbr.rel @p2 .LBB2_1-.Ltmp1, $4  }
0x8b: {  	s0 =	simm.s32 @!p1 $0x6  }
0x8c: {  	_ =	swait.ge @!p1 [sflag:s0], $0x100  }
0x8d: {  	[sflag:s0] =	ssyncset.done @!p1 $0x0  }
0x8e: {  	[sflag:s0] =	ssyncadd.s32 @!p1 $0xFFFFFF00  }
0x8f: {  	_ =	sfence.sel $0x180000  }
0x90: {  	[bflag:$0x0] =	sbarrier.arrive $0xFFFF  }
0x91: {  	_ =	strace $0x90000047  }
0x92: {  	s0 =	stileid.u32;
	[bflag:$0x2] =	sbarrier.arrive $0xFFFF  }
0x93: {  	p0 =	sne.s32 s0, $0x0;
	s0 =	rddreg [dreg:$0x5]  }
0x94: {  	s0 =	sadd.s32 @!p0 $0x100000, s0  }
0x95: {  	[sflag:s0] =	ssyncadd.tile.s32 @!p0 $0x1;
	_ =	shalt  }
.Lfunc_end2:
_tile_overlayer_lowered:
.L_overlay_start_2:
0x96: {  	(tag) =	ssettag $0x2  }
0x97: {  	s0 =	rddreg [dreg:$0x0];
	s2 =	stileid.u32  }
0x98: {  	s1 =	rddreg [dreg:$0x1];
	p0 =	sne.s32 s2, $0x0  }
0x99: {  	s3 =	rddreg [dreg:$0x2];
	[bflag:$0x3] =	sbarrier.arrive $0xFFFF;
	s2 =	simm.s32 @!p0 $0x1C06  }
0x9a: {  	[timem:s3], [sflag:s2] =	dma.local @!p0 [hbm:s0], s1  }
0x9b: {  	s0 =	simm.s32 @!p0 $0x6  }
0x9c: {  	_ =	swait.ge @!p0 [sflag:s0], s1  }
0x9d: {  	s1 =	ssub.s32 @!p0 $0x0, s1;
	[sflag:s0] =	ssyncset.done @!p0 $0x0  }
0x9e: {  	[sflag:s0] =	ssyncadd.s32 @!p0 s1  }
0x9f: {  	[bflag:$0x3] =	sbarrier.arrive $0xFFFF  }
0xa0: {  	_ =	shalt  }

</sc_bundles>
